<compile_context>
chip_gen: v7x
topology: tpu7x:2x2x1
jax: 0.10.2.dev20260603
libtpu: 0.0.44.dev20260713+nightly
codegen_flags: <defaults>
</compile_context>

<pallas_src>
import functools

import jax
import jax.numpy as jnp
from jax import lax
from jax.experimental import pallas as pl
from jax.experimental.pallas import tpu as pltpu
from jax.experimental.pallas import tpu_sc as plsc

HALF = 64
EMBED = 128
NUM_RANKS = 15
NUM_SUITS = 5
_NC, _NS = 2, 16
_NW = _NC * _NS
_LANES = 16

_N_ROWS = 4096 * 200
_CHUNK = _N_ROWS // _NW
_S = 256
_NSUB = _CHUNK // _S
_BLK = _S // _LANES


def _make_embed_kernel():
    mesh = plsc.VectorSubcoreMesh(core_axis_name="c", subcore_axis_name="s")

    @functools.partial(
        pl.kernel,
        mesh=mesh,
        compiler_params=pltpu.CompilerParams(needs_layout_passes=False),
        out_type=jax.ShapeDtypeStruct((_N_ROWS * EMBED,), jnp.float32),
        scratch_types=[
            pltpu.VMEM((_CHUNK,), jnp.int32),
            pltpu.VMEM((_CHUNK,), jnp.int32),
            pltpu.VMEM((NUM_RANKS * HALF,), jnp.float32),
            pltpu.VMEM((NUM_SUITS * HALF,), jnp.float32),
            pltpu.VMEM((_S * EMBED,), jnp.float32),
            pltpu.VMEM((_S * EMBED,), jnp.float32),
            pltpu.SemaphoreType.DMA,
            pltpu.SemaphoreType.DMA,
            pltpu.SemaphoreType.DMA,
            pltpu.SemaphoreType.DMA,
        ],
    )
    def emb(ridx_hbm, sidx_hbm, rtab_hbm, stab_hbm, out_hbm,
            ridx_v, sidx_v, rtab_v, stab_v, stage0, stage1,
            sem0, sem1, isem0, isem1):
        wid = lax.axis_index("s") * _NC + lax.axis_index("c")
        base = wid * _CHUNK
        pltpu.sync_copy(rtab_hbm, rtab_v)
        pltpu.sync_copy(stab_hbm, stab_v)
        pltpu.sync_copy(ridx_hbm.at[pl.ds(base, _S)], ridx_v.at[pl.ds(0, _S)])
        pltpu.sync_copy(sidx_hbm.at[pl.ds(base, _S)], sidx_v.at[pl.ds(0, _S)])
        _REST = _CHUNK - _S
        pltpu.make_async_copy(
            ridx_hbm.at[pl.ds(base + _S, _REST)], ridx_v.at[pl.ds(_S, _REST)],
            isem0,
        ).start()
        pltpu.make_async_copy(
            sidx_hbm.at[pl.ds(base + _S, _REST)], sidx_v.at[pl.ds(_S, _REST)],
            isem1,
        ).start()

        lane = lax.iota(jnp.int32, _LANES)
        lane_off = lane << 7
        stages = (stage0, stage1)
        sems = (sem0, sem1)

        def fill(t, stage):
            def blk(p, carry):
                row0 = t * _S + p * _LANES
                ra = ridx_v[pl.ds(row0, _LANES)] << 6
                sa = sidx_v[pl.ds(row0, _LANES)] << 6
                ob = lane_off + (p << 11)

                @plsc.parallel_loop(0, HALF, unroll=4)
                def col(c):
                    cv = (lane + c) & (HALF - 1)
                    rv = plsc.load_gather(rtab_v, [ra + cv])
                    plsc.store_scatter(stage, [ob + cv], rv)
                    sv = plsc.load_gather(stab_v, [sa + cv])
                    plsc.store_scatter(stage, [ob + HALF + cv], sv)
                return carry
            lax.fori_loop(0, _BLK, blk, 0)

        def outer(t2, carry):
            for b in range(2):
                t = t2 * 2 + b

                @pl.when(t == 1)
                def _wait_idx():
                    pltpu.make_async_copy(
                        ridx_hbm.at[pl.ds(base + _S, _CHUNK - _S)],
                        ridx_v.at[pl.ds(_S, _CHUNK - _S)],
                        isem0,
                    ).wait()
                    pltpu.make_async_copy(
                        sidx_hbm.at[pl.ds(base + _S, _CHUNK - _S)],
                        sidx_v.at[pl.ds(_S, _CHUNK - _S)],
                        isem1,
                    ).wait()

                @pl.when(t >= 2)
                def _wait_prev():
                    pltpu.make_async_copy(
                        out_hbm.at[pl.ds(0, _S * EMBED)], stages[b], sems[b]
                    ).wait()

                fill(t, stages[b])
                pltpu.make_async_copy(
                    stages[b],
                    out_hbm.at[pl.ds((base + t * _S) * EMBED, _S * EMBED)],
                    sems[b],
                ).start()
            return carry

        lax.fori_loop(0, _NSUB // 2, outer, 0)
        for b in range(2):
            pltpu.make_async_copy(
                out_hbm.at[pl.ds(0, _S * EMBED)], stages[b], sems[b]
            ).wait()

    return emb


_embed = _make_embed_kernel()


def kernel(rank_indices, suit_indices, rank_table, suit_table):
    B, L = rank_indices.shape
    ridx = rank_indices.reshape(-1).astype(jnp.int32)
    sidx = suit_indices.reshape(-1).astype(jnp.int32)
    out = _embed(ridx, sidx, rank_table.reshape(-1), suit_table.reshape(-1))
    return out.reshape(B, L, EMBED)

# --- scband reference (transcript-rebuilt; emitter-appended) ---
"""Pipeline reference for scband-card-embedding-944892805286 (READ-ONLY COPY).

The authoritative reference and input builder live on the scoring server;
editing this copy changes nothing except your own understanding.
"""

import jax, jax.numpy as jnp
import numpy as np

EMBED_DIM = 128
HALF = EMBED_DIM // 2
NUM_RANKS = 15
NUM_SUITS = 5
BATCH = 4096
HIST = 200

def setup_inputs(seed: int = 0) -> dict:
    key = jax.random.key(seed)
    k1, k2, k3, k4 = jax.random.split(key, 4)
    rank_indices = jax.random.randint(k1, (BATCH, HIST), 0, NUM_RANKS, dtype=jnp.int64 if jax.config.jax_enable_x64 else jnp.int32)
    suit_indices = jax.random.randint(k2, (BATCH, HIST), 0, NUM_SUITS, dtype=jnp.int64 if jax.config.jax_enable_x64 else jnp.int32)
    # Learned parameters: embedding tables, default nn.Embedding init ~ N(0,1)
    rank_table = jax.random.normal(k3, (NUM_RANKS, HALF), dtype=jnp.float32)
    suit_table = jax.random.normal(k4, (NUM_SUITS, HALF), dtype=jnp.float32)
    return {"rank_indices": rank_indices, "suit_indices": suit_indices,
            "rank_table": rank_table, "suit_table": suit_table}

def reference(rank_indices, suit_indices, rank_table, suit_table):
    # Faithful translation of CardEmbedding.forward: two embedding lookups + concat
    rank_emb = jnp.take(rank_table, rank_indices, axis=0)   # [B, L, HALF]
    suit_emb = jnp.take(suit_table, suit_indices, axis=0)   # [B, L, HALF]
    return jnp.concatenate([rank_emb, suit_emb], axis=-1)   # [B, L, EMBED_DIM]

if __name__ == "__main__":
    import jax
    _d = setup_inputs()
    print(jax.jit(kernel)(*tuple(_d.values())))

</pallas_src>

<mosaic_0001>
#map = affine_map<(d0, d1) -> (0)>
module attributes {stable_mosaic.version = 14 : i64} {
  func.func @emb(%arg0: i32, %arg1: i32, %arg2: memref<819200xi32, #tpu.memory_space<hbm>>, %arg3: memref<819200xi32, #tpu.memory_space<hbm>>, %arg4: memref<960xf32, #tpu.memory_space<hbm>>, %arg5: memref<320xf32, #tpu.memory_space<hbm>>, %arg6: memref<104857600xf32, #tpu.memory_space<hbm>>, %arg7: memref<25600xi32, #tpu.memory_space<vmem>>, %arg8: memref<25600xi32, #tpu.memory_space<vmem>>, %arg9: memref<960xf32, #tpu.memory_space<vmem>>, %arg10: memref<320xf32, #tpu.memory_space<vmem>>, %arg11: memref<32768xf32, #tpu.memory_space<vmem>>, %arg12: memref<32768xf32, #tpu.memory_space<vmem>>, %arg13: memref<!tpu.dma_semaphore, #tpu.memory_space<semaphore_mem>>, %arg14: memref<!tpu.dma_semaphore, #tpu.memory_space<semaphore_mem>>, %arg15: memref<!tpu.dma_semaphore, #tpu.memory_space<semaphore_mem>>, %arg16: memref<!tpu.dma_semaphore, #tpu.memory_space<semaphore_mem>>) attributes {dimension_semantics = [#tpu.dimension_semantics<core_parallel>, #tpu.dimension_semantics<subcore_parallel>], iteration_bounds = array<i64: 2, 16>, scalar_prefetch = 0 : i64, scratch_operands = 10 : i64, tpu.core_type = #tpu.core_type<sc_vector_subcore>, window_params = [{transform_indices = #map}, {transform_indices = #map}, {transform_indices = #map}, {transform_indices = #map}, {transform_indices = #map}]} {
    %mul3A = arith.constant 2 : i32
    %mul3A_0 = arith.muli %arg1, %mul3A : i32
    %add3A = arith.addi %mul3A_0, %arg0 : i32
    %mul3A_1 = arith.constant 25600 : i32
    %mul3A_2 = arith.muli %add3A, %mul3A_1 : i32
    "tpu.region"() ({
      %run_scoped3A = tpu.sem_alloc : memref<!tpu.dma_semaphore, #tpu.memory_space<semaphore_mem>>
      tpu.enqueue_dma source(%arg4 : memref<960xf32, #tpu.memory_space<hbm>>) target(%arg9 : memref<960xf32, #tpu.memory_space<vmem>>) target_semaphore(%run_scoped3A : memref<!tpu.dma_semaphore, #tpu.memory_space<semaphore_mem>>)
      tpu.wait_dma2 semaphore(%run_scoped3A : memref<!tpu.dma_semaphore, #tpu.memory_space<semaphore_mem>>) src(%arg4 : memref<960xf32, #tpu.memory_space<hbm>>) dst(%arg9 : memref<960xf32, #tpu.memory_space<vmem>>)
      tpu.yield
    }) : () -> ()
    "tpu.region"() ({
      %run_scoped3A = tpu.sem_alloc : memref<!tpu.dma_semaphore, #tpu.memory_space<semaphore_mem>>
      tpu.enqueue_dma source(%arg5 : memref<320xf32, #tpu.memory_space<hbm>>) target(%arg10 : memref<320xf32, #tpu.memory_space<vmem>>) target_semaphore(%run_scoped3A : memref<!tpu.dma_semaphore, #tpu.memory_space<semaphore_mem>>)
      tpu.wait_dma2 semaphore(%run_scoped3A : memref<!tpu.dma_semaphore, #tpu.memory_space<semaphore_mem>>) src(%arg5 : memref<320xf32, #tpu.memory_space<hbm>>) dst(%arg10 : memref<320xf32, #tpu.memory_space<vmem>>)
      tpu.yield
    }) : () -> ()
    "tpu.region"() ({
      %run_scoped3A = tpu.sem_alloc : memref<!tpu.dma_semaphore, #tpu.memory_space<semaphore_mem>>
      %dma_start3A_32 = arith.constant 0 : i32
      %dma_start3A_33 = tpu.memref_slice %arg7[%dma_start3A_32] : memref<25600xi32, #tpu.memory_space<vmem>> -> memref<256xi32, #tpu.memory_space<vmem>>
      %dma_start3A_34 = tpu.memref_slice %arg2[%mul3A_2] : memref<819200xi32, #tpu.memory_space<hbm>> -> memref<256xi32, #tpu.memory_space<hbm>>
      %dma_start3A_35 = arith.constant 0 : i32
      %dma_start3A_36 = tpu.memref_slice %arg7[%dma_start3A_35] : memref<25600xi32, #tpu.memory_space<vmem>> -> memref<256xi32, #tpu.memory_space<vmem>>
      %dma_start3A_37 = tpu.memref_slice %arg2[%mul3A_2] : memref<819200xi32, #tpu.memory_space<hbm>> -> memref<256xi32, #tpu.memory_space<hbm>>
      tpu.enqueue_dma source(%dma_start3A_37 : memref<256xi32, #tpu.memory_space<hbm>>) target(%dma_start3A_36 : memref<256xi32, #tpu.memory_space<vmem>>) target_semaphore(%run_scoped3A : memref<!tpu.dma_semaphore, #tpu.memory_space<semaphore_mem>>)
      %dma_wait3A_38 = arith.constant 0 : i32
      %dma_wait3A_39 = tpu.memref_slice %arg7[%dma_wait3A_38] : memref<25600xi32, #tpu.memory_space<vmem>> -> memref<256xi32, #tpu.memory_space<vmem>>
      %dma_wait3A_40 = tpu.memref_slice %arg2[%mul3A_2] : memref<819200xi32, #tpu.memory_space<hbm>> -> memref<256xi32, #tpu.memory_space<hbm>>
      %dma_wait3A_41 = arith.constant 0 : i32
      %dma_wait3A_42 = tpu.memref_slice %arg7[%dma_wait3A_41] : memref<25600xi32, #tpu.memory_space<vmem>> -> memref<256xi32, #tpu.memory_space<vmem>>
      %dma_wait3A_43 = tpu.memref_slice %arg2[%mul3A_2] : memref<819200xi32, #tpu.memory_space<hbm>> -> memref<256xi32, #tpu.memory_space<hbm>>
      tpu.wait_dma2 semaphore(%run_scoped3A : memref<!tpu.dma_semaphore, #tpu.memory_space<semaphore_mem>>) src(%dma_wait3A_43 : memref<256xi32, #tpu.memory_space<hbm>>) dst(%dma_wait3A_42 : memref<256xi32, #tpu.memory_space<vmem>>)
      tpu.yield
    }) : () -> ()
    "tpu.region"() ({
      %run_scoped3A = tpu.sem_alloc : memref<!tpu.dma_semaphore, #tpu.memory_space<semaphore_mem>>
      %dma_start3A_32 = arith.constant 0 : i32
      %dma_start3A_33 = tpu.memref_slice %arg8[%dma_start3A_32] : memref<25600xi32, #tpu.memory_space<vmem>> -> memref<256xi32, #tpu.memory_space<vmem>>
      %dma_start3A_34 = tpu.memref_slice %arg3[%mul3A_2] : memref<819200xi32, #tpu.memory_space<hbm>> -> memref<256xi32, #tpu.memory_space<hbm>>
      %dma_start3A_35 = arith.constant 0 : i32
      %dma_start3A_36 = tpu.memref_slice %arg8[%dma_start3A_35] : memref<25600xi32, #tpu.memory_space<vmem>> -> memref<256xi32, #tpu.memory_space<vmem>>
      %dma_start3A_37 = tpu.memref_slice %arg3[%mul3A_2] : memref<819200xi32, #tpu.memory_space<hbm>> -> memref<256xi32, #tpu.memory_space<hbm>>
      tpu.enqueue_dma source(%dma_start3A_37 : memref<256xi32, #tpu.memory_space<hbm>>) target(%dma_start3A_36 : memref<256xi32, #tpu.memory_space<vmem>>) target_semaphore(%run_scoped3A : memref<!tpu.dma_semaphore, #tpu.memory_space<semaphore_mem>>)
      %dma_wait3A_38 = arith.constant 0 : i32
      %dma_wait3A_39 = tpu.memref_slice %arg8[%dma_wait3A_38] : memref<25600xi32, #tpu.memory_space<vmem>> -> memref<256xi32, #tpu.memory_space<vmem>>
      %dma_wait3A_40 = tpu.memref_slice %arg3[%mul3A_2] : memref<819200xi32, #tpu.memory_space<hbm>> -> memref<256xi32, #tpu.memory_space<hbm>>
      %dma_wait3A_41 = arith.constant 0 : i32
      %dma_wait3A_42 = tpu.memref_slice %arg8[%dma_wait3A_41] : memref<25600xi32, #tpu.memory_space<vmem>> -> memref<256xi32, #tpu.memory_space<vmem>>
      %dma_wait3A_43 = tpu.memref_slice %arg3[%mul3A_2] : memref<819200xi32, #tpu.memory_space<hbm>> -> memref<256xi32, #tpu.memory_space<hbm>>
      tpu.wait_dma2 semaphore(%run_scoped3A : memref<!tpu.dma_semaphore, #tpu.memory_space<semaphore_mem>>) src(%dma_wait3A_43 : memref<256xi32, #tpu.memory_space<hbm>>) dst(%dma_wait3A_42 : memref<256xi32, #tpu.memory_space<vmem>>)
      tpu.yield
    }) : () -> ()
    %add3A_3 = arith.constant 256 : i32
    %add3A_4 = arith.addi %mul3A_2, %add3A_3 : i32
    %dma_start3A = arith.constant 256 : i32
    %dma_start3A_5 = tpu.memref_slice %arg7[%dma_start3A] : memref<25600xi32, #tpu.memory_space<vmem>> -> memref<25344xi32, #tpu.memory_space<vmem>>
    %dma_start3A_6 = tpu.memref_slice %arg2[%add3A_4] : memref<819200xi32, #tpu.memory_space<hbm>> -> memref<25344xi32, #tpu.memory_space<hbm>>
    %dma_start3A_7 = arith.constant 256 : i32
    %dma_start3A_8 = tpu.memref_slice %arg7[%dma_start3A_7] : memref<25600xi32, #tpu.memory_space<vmem>> -> memref<25344xi32, #tpu.memory_space<vmem>>
    %dma_start3A_9 = tpu.memref_slice %arg2[%add3A_4] : memref<819200xi32, #tpu.memory_space<hbm>> -> memref<25344xi32, #tpu.memory_space<hbm>>
    tpu.enqueue_dma source(%dma_start3A_9 : memref<25344xi32, #tpu.memory_space<hbm>>) target(%dma_start3A_8 : memref<25344xi32, #tpu.memory_space<vmem>>) target_semaphore(%arg15 : memref<!tpu.dma_semaphore, #tpu.memory_space<semaphore_mem>>)
    %add3A_10 = arith.constant 256 : i32
    %add3A_11 = arith.addi %mul3A_2, %add3A_10 : i32
    %dma_start3A_12 = arith.constant 256 : i32
    %dma_start3A_13 = tpu.memref_slice %arg8[%dma_start3A_12] : memref<25600xi32, #tpu.memory_space<vmem>> -> memref<25344xi32, #tpu.memory_space<vmem>>
    %dma_start3A_14 = tpu.memref_slice %arg3[%add3A_11] : memref<819200xi32, #tpu.memory_space<hbm>> -> memref<25344xi32, #tpu.memory_space<hbm>>
    %dma_start3A_15 = arith.constant 256 : i32
    %dma_start3A_16 = tpu.memref_slice %arg8[%dma_start3A_15] : memref<25600xi32, #tpu.memory_space<vmem>> -> memref<25344xi32, #tpu.memory_space<vmem>>
    %dma_start3A_17 = tpu.memref_slice %arg3[%add3A_11] : memref<819200xi32, #tpu.memory_space<hbm>> -> memref<25344xi32, #tpu.memory_space<hbm>>
    tpu.enqueue_dma source(%dma_start3A_17 : memref<25344xi32, #tpu.memory_space<hbm>>) target(%dma_start3A_16 : memref<25344xi32, #tpu.memory_space<vmem>>) target_semaphore(%arg16 : memref<!tpu.dma_semaphore, #tpu.memory_space<semaphore_mem>>)
    %iota3A = tpu.iota {dimensions = array<i32: 0>} : vector<16xi32>
    %shift_left3A = arith.constant 7 : i32
    %shift_left3A_18 = vector.broadcast %shift_left3A : i32 to vector<16xi32>
    %shift_left3A_19 = arith.shli %iota3A, %shift_left3A_18 : vector<16xi32>
    %scan3A = arith.constant 0 : i32
    %scan3A_20 = arith.constant 0 : i32
    %scan3A_21 = arith.constant 50 : i32
    %scan3A_22 = arith.addi %scan3A_20, %scan3A_21 : i32
    %scan3A_23 = arith.constant 1 : i32
    scf.for %scan3A_32 = %scan3A_20 to %scan3A_22 step %scan3A_23  : i32 {
      %mul3A_33 = arith.constant 2 : i32
      %mul3A_34 = arith.muli %scan3A_32, %mul3A_33 : i32
      %add3A_35 = arith.constant 0 : i32
      %add3A_36 = arith.addi %mul3A_34, %add3A_35 : i32
      %eq3A = arith.constant 1 : i32
      %eq3A_37 = arith.cmpi eq, %add3A_36, %eq3A : i32
      %convert_element_type3A = arith.extui %eq3A_37 : i1 to i32
      %cond3A = arith.constant 0 : i32
      %cond3A_38 = arith.cmpi ne, %convert_element_type3A, %cond3A : i32
      scf.if %cond3A_38 {
        %add3A_83 = arith.constant 256 : i32
        %add3A_84 = arith.addi %mul3A_2, %add3A_83 : i32
        %dma_wait3A_85 = arith.constant 256 : i32
        %dma_wait3A_86 = tpu.memref_slice %arg7[%dma_wait3A_85] : memref<25600xi32, #tpu.memory_space<vmem>> -> memref<25344xi32, #tpu.memory_space<vmem>>
        %dma_wait3A_87 = tpu.memref_slice %arg2[%add3A_84] : memref<819200xi32, #tpu.memory_space<hbm>> -> memref<25344xi32, #tpu.memory_space<hbm>>
        %dma_wait3A_88 = arith.constant 256 : i32
        %dma_wait3A_89 = tpu.memref_slice %arg7[%dma_wait3A_88] : memref<25600xi32, #tpu.memory_space<vmem>> -> memref<25344xi32, #tpu.memory_space<vmem>>
        %dma_wait3A_90 = tpu.memref_slice %arg2[%add3A_84] : memref<819200xi32, #tpu.memory_space<hbm>> -> memref<25344xi32, #tpu.memory_space<hbm>>
        tpu.wait_dma2 semaphore(%arg15 : memref<!tpu.dma_semaphore, #tpu.memory_space<semaphore_mem>>) src(%dma_wait3A_90 : memref<25344xi32, #tpu.memory_space<hbm>>) dst(%dma_wait3A_89 : memref<25344xi32, #tpu.memory_space<vmem>>)
        %add3A_91 = arith.constant 256 : i32
        %add3A_92 = arith.addi %mul3A_2, %add3A_91 : i32
        %dma_wait3A_93 = arith.constant 256 : i32
        %dma_wait3A_94 = tpu.memref_slice %arg8[%dma_wait3A_93] : memref<25600xi32, #tpu.memory_space<vmem>> -> memref<25344xi32, #tpu.memory_space<vmem>>
        %dma_wait3A_95 = tpu.memref_slice %arg3[%add3A_92] : memref<819200xi32, #tpu.memory_space<hbm>> -> memref<25344xi32, #tpu.memory_space<hbm>>
        %dma_wait3A_96 = arith.constant 256 : i32
        %dma_wait3A_97 = tpu.memref_slice %arg8[%dma_wait3A_96] : memref<25600xi32, #tpu.memory_space<vmem>> -> memref<25344xi32, #tpu.memory_space<vmem>>
        %dma_wait3A_98 = tpu.memref_slice %arg3[%add3A_92] : memref<819200xi32, #tpu.memory_space<hbm>> -> memref<25344xi32, #tpu.memory_space<hbm>>
        tpu.wait_dma2 semaphore(%arg16 : memref<!tpu.dma_semaphore, #tpu.memory_space<semaphore_mem>>) src(%dma_wait3A_98 : memref<25344xi32, #tpu.memory_space<hbm>>) dst(%dma_wait3A_97 : memref<25344xi32, #tpu.memory_space<vmem>>)
      } else {
      }
      %ge3A = arith.constant 2 : i32
      %ge3A_39 = arith.cmpi sge, %add3A_36, %ge3A : i32
      %convert_element_type3A_40 = arith.extui %ge3A_39 : i1 to i32
      %cond3A_41 = arith.constant 0 : i32
      %cond3A_42 = arith.cmpi ne, %convert_element_type3A_40, %cond3A_41 : i32
      scf.if %cond3A_42 {
        %dma_wait3A_83 = arith.constant 0 : i32
        %dma_wait3A_84 = tpu.memref_slice %arg6[%dma_wait3A_83] : memref<104857600xf32, #tpu.memory_space<hbm>> -> memref<32768xf32, #tpu.memory_space<hbm>>
        %dma_wait3A_85 = arith.constant 0 : i32
        %dma_wait3A_86 = tpu.memref_slice %arg6[%dma_wait3A_85] : memref<104857600xf32, #tpu.memory_space<hbm>> -> memref<32768xf32, #tpu.memory_space<hbm>>
        tpu.wait_dma2 semaphore(%arg13 : memref<!tpu.dma_semaphore, #tpu.memory_space<semaphore_mem>>) src(%dma_wait3A_86 : memref<32768xf32, #tpu.memory_space<hbm>>) dst(%arg11 : memref<32768xf32, #tpu.memory_space<vmem>>)
      } else {
      }
      %scan3A_43 = arith.constant 0 : i32
      %scan3A_44 = arith.constant 0 : i32
      %scan3A_45 = arith.constant 16 : i32
      %scan3A_46 = arith.addi %scan3A_44, %scan3A_45 : i32
      %scan3A_47 = arith.constant 1 : i32
      scf.for %scan3A_83 = %scan3A_44 to %scan3A_46 step %scan3A_47  : i32 {
        %mul3A_84 = arith.constant 256 : i32
        %mul3A_85 = arith.muli %add3A_36, %mul3A_84 : i32
        %mul3A_86 = arith.constant 16 : i32
        %mul3A_87 = arith.muli %scan3A_83, %mul3A_86 : i32
        %add3A_88 = arith.addi %mul3A_85, %mul3A_87 : i32
        %get3A = arith.index_cast %add3A_88 : i32 to index
        %get3A_89 = tpu.vector_load %arg7[%get3A] {strides = array<i32>} : memref<25600xi32, #tpu.memory_space<vmem>>, vector<16xi32>,
        %shift_left3A_90 = arith.constant 6 : i32
        %shift_left3A_91 = vector.broadcast %shift_left3A_90 : i32 to vector<16xi32>
        %shift_left3A_92 = arith.shli %get3A_89, %shift_left3A_91 : vector<16xi32>
        %get3A_93 = arith.index_cast %add3A_88 : i32 to index
        %get3A_94 = tpu.vector_load %arg8[%get3A_93] {strides = array<i32>} : memref<25600xi32, #tpu.memory_space<vmem>>, vector<16xi32>,
        %shift_left3A_95 = arith.constant 6 : i32
        %shift_left3A_96 = vector.broadcast %shift_left3A_95 : i32 to vector<16xi32>
        %shift_left3A_97 = arith.shli %get3A_94, %shift_left3A_96 : vector<16xi32>
        %shift_left3A_98 = arith.constant 11 : i32
        %shift_left3A_99 = arith.shli %scan3A_83, %shift_left3A_98 : i32
        %add3A_100 = vector.broadcast %shift_left3A_99 : i32 to vector<16xi32>
        %add3A_101 = arith.addi %shift_left3A_19, %add3A_100 : vector<16xi32>
        %parallel_loop3A = arith.constant 0 : i32
        %parallel_loop3A_102 = arith.constant 64 : i32
        %parallel_loop3A_103 = arith.constant 1 : i32
        scf.for %parallel_loop3A_104 = %parallel_loop3A to %parallel_loop3A_102 step %parallel_loop3A_103  : i32 {
          %parallel_loop3A_105 = vector.broadcast %parallel_loop3A_104 : i32 to vector<16xi32>
          %parallel_loop3A_106 = arith.addi %iota3A, %parallel_loop3A_105 : vector<16xi32>
          %parallel_loop3A_107 = arith.constant 63 : i32
          %parallel_loop3A_108 = vector.broadcast %parallel_loop3A_107 : i32 to vector<16xi32>
          %parallel_loop3A_109 = arith.andi %parallel_loop3A_106, %parallel_loop3A_108 : vector<16xi32>
          %parallel_loop3A_110 = arith.addi %shift_left3A_92, %parallel_loop3A_109 : vector<16xi32>
          %parallel_loop3A_111 = tpu.vector_load_idx %arg9[%parallel_loop3A_110] : memref<960xf32, #tpu.memory_space<vmem>>[vector<16xi32>], vector<16xf32>,
          %parallel_loop3A_112 = arith.addi %add3A_101, %parallel_loop3A_109 : vector<16xi32>
          tpu.vector_store_idx %arg11[%parallel_loop3A_112], %parallel_loop3A_111 : memref<32768xf32, #tpu.memory_space<vmem>>[vector<16xi32>], vector<16xf32>,
          %parallel_loop3A_113 = arith.addi %shift_left3A_97, %parallel_loop3A_109 : vector<16xi32>
          %parallel_loop3A_114 = tpu.vector_load_idx %arg10[%parallel_loop3A_113] : memref<320xf32, #tpu.memory_space<vmem>>[vector<16xi32>], vector<16xf32>,
          %parallel_loop3A_115 = arith.constant 64 : i32
          %parallel_loop3A_116 = vector.broadcast %parallel_loop3A_115 : i32 to vector<16xi32>
          %parallel_loop3A_117 = arith.addi %add3A_101, %parallel_loop3A_116 : vector<16xi32>
          %parallel_loop3A_118 = arith.addi %parallel_loop3A_117, %parallel_loop3A_109 : vector<16xi32>
          tpu.vector_store_idx %arg11[%parallel_loop3A_118], %parallel_loop3A_114 : memref<32768xf32, #tpu.memory_space<vmem>>[vector<16xi32>], vector<16xf32>,
        } {sc.loop_unroll_factor = 4 : i64, sc.parallel_access}
      }
      %scan3A_48 = arith.constant 16 : i32
      %mul3A_49 = arith.constant 256 : i32
      %mul3A_50 = arith.muli %add3A_36, %mul3A_49 : i32
      %add3A_51 = arith.addi %mul3A_2, %mul3A_50 : i32
      %mul3A_52 = arith.constant 128 : i32
      %mul3A_53 = arith.muli %add3A_51, %mul3A_52 : i32
      %dma_start3A_54 = tpu.memref_slice %arg6[%mul3A_53] : memref<104857600xf32, #tpu.memory_space<hbm>> -> memref<32768xf32, #tpu.memory_space<hbm>>
      %dma_start3A_55 = tpu.memref_slice %arg6[%mul3A_53] : memref<104857600xf32, #tpu.memory_space<hbm>> -> memref<32768xf32, #tpu.memory_space<hbm>>
      tpu.enqueue_dma source(%arg11 : memref<32768xf32, #tpu.memory_space<vmem>>) target(%dma_start3A_55 : memref<32768xf32, #tpu.memory_space<hbm>>) target_semaphore(%arg13 : memref<!tpu.dma_semaphore, #tpu.memory_space<semaphore_mem>>)
      %mul3A_56 = arith.constant 2 : i32
      %mul3A_57 = arith.muli %scan3A_32, %mul3A_56 : i32
      %add3A_58 = arith.constant 1 : i32
      %add3A_59 = arith.addi %mul3A_57, %add3A_58 : i32
      %eq3A_60 = arith.constant 1 : i32
      %eq3A_61 = arith.cmpi eq, %add3A_59, %eq3A_60 : i32
      %convert_element_type3A_62 = arith.extui %eq3A_61 : i1 to i32
      %cond3A_63 = arith.constant 0 : i32
      %cond3A_64 = arith.cmpi ne, %convert_element_type3A_62, %cond3A_63 : i32
      scf.if %cond3A_64 {
        %add3A_83 = arith.constant 256 : i32
        %add3A_84 = arith.addi %mul3A_2, %add3A_83 : i32
        %dma_wait3A_85 = arith.constant 256 : i32
        %dma_wait3A_86 = tpu.memref_slice %arg7[%dma_wait3A_85] : memref<25600xi32, #tpu.memory_space<vmem>> -> memref<25344xi32, #tpu.memory_space<vmem>>
        %dma_wait3A_87 = tpu.memref_slice %arg2[%add3A_84] : memref<819200xi32, #tpu.memory_space<hbm>> -> memref<25344xi32, #tpu.memory_space<hbm>>
        %dma_wait3A_88 = arith.constant 256 : i32
        %dma_wait3A_89 = tpu.memref_slice %arg7[%dma_wait3A_88] : memref<25600xi32, #tpu.memory_space<vmem>> -> memref<25344xi32, #tpu.memory_space<vmem>>
        %dma_wait3A_90 = tpu.memref_slice %arg2[%add3A_84] : memref<819200xi32, #tpu.memory_space<hbm>> -> memref<25344xi32, #tpu.memory_space<hbm>>
        tpu.wait_dma2 semaphore(%arg15 : memref<!tpu.dma_semaphore, #tpu.memory_space<semaphore_mem>>) src(%dma_wait3A_90 : memref<25344xi32, #tpu.memory_space<hbm>>) dst(%dma_wait3A_89 : memref<25344xi32, #tpu.memory_space<vmem>>)
        %add3A_91 = arith.constant 256 : i32
        %add3A_92 = arith.addi %mul3A_2, %add3A_91 : i32
        %dma_wait3A_93 = arith.constant 256 : i32
        %dma_wait3A_94 = tpu.memref_slice %arg8[%dma_wait3A_93] : memref<25600xi32, #tpu.memory_space<vmem>> -> memref<25344xi32, #tpu.memory_space<vmem>>
        %dma_wait3A_95 = tpu.memref_slice %arg3[%add3A_92] : memref<819200xi32, #tpu.memory_space<hbm>> -> memref<25344xi32, #tpu.memory_space<hbm>>
        %dma_wait3A_96 = arith.constant 256 : i32
        %dma_wait3A_97 = tpu.memref_slice %arg8[%dma_wait3A_96] : memref<25600xi32, #tpu.memory_space<vmem>> -> memref<25344xi32, #tpu.memory_space<vmem>>
        %dma_wait3A_98 = tpu.memref_slice %arg3[%add3A_92] : memref<819200xi32, #tpu.memory_space<hbm>> -> memref<25344xi32, #tpu.memory_space<hbm>>
        tpu.wait_dma2 semaphore(%arg16 : memref<!tpu.dma_semaphore, #tpu.memory_space<semaphore_mem>>) src(%dma_wait3A_98 : memref<25344xi32, #tpu.memory_space<hbm>>) dst(%dma_wait3A_97 : memref<25344xi32, #tpu.memory_space<vmem>>)
      } else {
      }
      %ge3A_65 = arith.constant 2 : i32
      %ge3A_66 = arith.cmpi sge, %add3A_59, %ge3A_65 : i32
      %convert_element_type3A_67 = arith.extui %ge3A_66 : i1 to i32
      %cond3A_68 = arith.constant 0 : i32
      %cond3A_69 = arith.cmpi ne, %convert_element_type3A_67, %cond3A_68 : i32
      scf.if %cond3A_69 {
        %dma_wait3A_83 = arith.constant 0 : i32
        %dma_wait3A_84 = tpu.memref_slice %arg6[%dma_wait3A_83] : memref<104857600xf32, #tpu.memory_space<hbm>> -> memref<32768xf32, #tpu.memory_space<hbm>>
        %dma_wait3A_85 = arith.constant 0 : i32
        %dma_wait3A_86 = tpu.memref_slice %arg6[%dma_wait3A_85] : memref<104857600xf32, #tpu.memory_space<hbm>> -> memref<32768xf32, #tpu.memory_space<hbm>>
        tpu.wait_dma2 semaphore(%arg14 : memref<!tpu.dma_semaphore, #tpu.memory_space<semaphore_mem>>) src(%dma_wait3A_86 : memref<32768xf32, #tpu.memory_space<hbm>>) dst(%arg12 : memref<32768xf32, #tpu.memory_space<vmem>>)
      } else {
      }
      %scan3A_70 = arith.constant 0 : i32
      %scan3A_71 = arith.constant 0 : i32
      %scan3A_72 = arith.constant 16 : i32
      %scan3A_73 = arith.addi %scan3A_71, %scan3A_72 : i32
      %scan3A_74 = arith.constant 1 : i32
      scf.for %scan3A_83 = %scan3A_71 to %scan3A_73 step %scan3A_74  : i32 {
        %mul3A_84 = arith.constant 256 : i32
        %mul3A_85 = arith.muli %add3A_59, %mul3A_84 : i32
        %mul3A_86 = arith.constant 16 : i32
        %mul3A_87 = arith.muli %scan3A_83, %mul3A_86 : i32
        %add3A_88 = arith.addi %mul3A_85, %mul3A_87 : i32
        %get3A = arith.index_cast %add3A_88 : i32 to index
        %get3A_89 = tpu.vector_load %arg7[%get3A] {strides = array<i32>} : memref<25600xi32, #tpu.memory_space<vmem>>, vector<16xi32>,
        %shift_left3A_90 = arith.constant 6 : i32
        %shift_left3A_91 = vector.broadcast %shift_left3A_90 : i32 to vector<16xi32>
        %shift_left3A_92 = arith.shli %get3A_89, %shift_left3A_91 : vector<16xi32>
        %get3A_93 = arith.index_cast %add3A_88 : i32 to index
        %get3A_94 = tpu.vector_load %arg8[%get3A_93] {strides = array<i32>} : memref<25600xi32, #tpu.memory_space<vmem>>, vector<16xi32>,
        %shift_left3A_95 = arith.constant 6 : i32
        %shift_left3A_96 = vector.broadcast %shift_left3A_95 : i32 to vector<16xi32>
        %shift_left3A_97 = arith.shli %get3A_94, %shift_left3A_96 : vector<16xi32>
        %shift_left3A_98 = arith.constant 11 : i32
        %shift_left3A_99 = arith.shli %scan3A_83, %shift_left3A_98 : i32
        %add3A_100 = vector.broadcast %shift_left3A_99 : i32 to vector<16xi32>
        %add3A_101 = arith.addi %shift_left3A_19, %add3A_100 : vector<16xi32>
        %parallel_loop3A = arith.constant 0 : i32
        %parallel_loop3A_102 = arith.constant 64 : i32
        %parallel_loop3A_103 = arith.constant 1 : i32
        scf.for %parallel_loop3A_104 = %parallel_loop3A to %parallel_loop3A_102 step %parallel_loop3A_103  : i32 {
          %parallel_loop3A_105 = vector.broadcast %parallel_loop3A_104 : i32 to vector<16xi32>
          %parallel_loop3A_106 = arith.addi %iota3A, %parallel_loop3A_105 : vector<16xi32>
          %parallel_loop3A_107 = arith.constant 63 : i32
          %parallel_loop3A_108 = vector.broadcast %parallel_loop3A_107 : i32 to vector<16xi32>
          %parallel_loop3A_109 = arith.andi %parallel_loop3A_106, %parallel_loop3A_108 : vector<16xi32>
          %parallel_loop3A_110 = arith.addi %shift_left3A_92, %parallel_loop3A_109 : vector<16xi32>
          %parallel_loop3A_111 = tpu.vector_load_idx %arg9[%parallel_loop3A_110] : memref<960xf32, #tpu.memory_space<vmem>>[vector<16xi32>], vector<16xf32>,
          %parallel_loop3A_112 = arith.addi %add3A_101, %parallel_loop3A_109 : vector<16xi32>
          tpu.vector_store_idx %arg12[%parallel_loop3A_112], %parallel_loop3A_111 : memref<32768xf32, #tpu.memory_space<vmem>>[vector<16xi32>], vector<16xf32>,
          %parallel_loop3A_113 = arith.addi %shift_left3A_97, %parallel_loop3A_109 : vector<16xi32>
          %parallel_loop3A_114 = tpu.vector_load_idx %arg10[%parallel_loop3A_113] : memref<320xf32, #tpu.memory_space<vmem>>[vector<16xi32>], vector<16xf32>,
          %parallel_loop3A_115 = arith.constant 64 : i32
          %parallel_loop3A_116 = vector.broadcast %parallel_loop3A_115 : i32 to vector<16xi32>
          %parallel_loop3A_117 = arith.addi %add3A_101, %parallel_loop3A_116 : vector<16xi32>
          %parallel_loop3A_118 = arith.addi %parallel_loop3A_117, %parallel_loop3A_109 : vector<16xi32>
          tpu.vector_store_idx %arg12[%parallel_loop3A_118], %parallel_loop3A_114 : memref<32768xf32, #tpu.memory_space<vmem>>[vector<16xi32>], vector<16xf32>,
        } {sc.loop_unroll_factor = 4 : i64, sc.parallel_access}
      }
      %scan3A_75 = arith.constant 16 : i32
      %mul3A_76 = arith.constant 256 : i32
      %mul3A_77 = arith.muli %add3A_59, %mul3A_76 : i32
      %add3A_78 = arith.addi %mul3A_2, %mul3A_77 : i32
      %mul3A_79 = arith.constant 128 : i32
      %mul3A_80 = arith.muli %add3A_78, %mul3A_79 : i32
      %dma_start3A_81 = tpu.memref_slice %arg6[%mul3A_80] : memref<104857600xf32, #tpu.memory_space<hbm>> -> memref<32768xf32, #tpu.memory_space<hbm>>
      %dma_start3A_82 = tpu.memref_slice %arg6[%mul3A_80] : memref<104857600xf32, #tpu.memory_space<hbm>> -> memref<32768xf32, #tpu.memory_space<hbm>>
      tpu.enqueue_dma source(%arg12 : memref<32768xf32, #tpu.memory_space<vmem>>) target(%dma_start3A_82 : memref<32768xf32, #tpu.memory_space<hbm>>) target_semaphore(%arg14 : memref<!tpu.dma_semaphore, #tpu.memory_space<semaphore_mem>>)
    }
    %scan3A_24 = arith.constant 50 : i32
    %dma_wait3A = arith.constant 0 : i32
    %dma_wait3A_25 = tpu.memref_slice %arg6[%dma_wait3A] : memref<104857600xf32, #tpu.memory_space<hbm>> -> memref<32768xf32, #tpu.memory_space<hbm>>
    %dma_wait3A_26 = arith.constant 0 : i32
    %dma_wait3A_27 = tpu.memref_slice %arg6[%dma_wait3A_26] : memref<104857600xf32, #tpu.memory_space<hbm>> -> memref<32768xf32, #tpu.memory_space<hbm>>
    tpu.wait_dma2 semaphore(%arg13 : memref<!tpu.dma_semaphore, #tpu.memory_space<semaphore_mem>>) src(%dma_wait3A_27 : memref<32768xf32, #tpu.memory_space<hbm>>) dst(%arg11 : memref<32768xf32, #tpu.memory_space<vmem>>)
    %dma_wait3A_28 = arith.constant 0 : i32
    %dma_wait3A_29 = tpu.memref_slice %arg6[%dma_wait3A_28] : memref<104857600xf32, #tpu.memory_space<hbm>> -> memref<32768xf32, #tpu.memory_space<hbm>>
    %dma_wait3A_30 = arith.constant 0 : i32
    %dma_wait3A_31 = tpu.memref_slice %arg6[%dma_wait3A_30] : memref<104857600xf32, #tpu.memory_space<hbm>> -> memref<32768xf32, #tpu.memory_space<hbm>>
    tpu.wait_dma2 semaphore(%arg14 : memref<!tpu.dma_semaphore, #tpu.memory_space<semaphore_mem>>) src(%dma_wait3A_31 : memref<32768xf32, #tpu.memory_space<hbm>>) dst(%arg12 : memref<32768xf32, #tpu.memory_space<vmem>>)
    return
  }
}

</mosaic_0001>

<sc_bundles>
// kernel: kernel.3.cloned.1.call-start
scs
__scs_entry_jumppad:
0x0: {  	(pc) =	sbr.rel $0x88, $3  }
0x1: {  	(tag) =	ssettag $0x0;
	lr =	simm.s32 $0x1  }
0x2: {  	[smem:$0x3F9D] =	sst lr;
	_ =	strace $0xD0000000  }
0x3: {  	_ = 	snop  }
0x4: {  	_ = 	snop  }
0x5: {  	_ = 	snop  }
0x6: {  	_ = 	snop  }
0x7: {  	_ = 	snop  }
__scs_overlays_trampoline_lowered:
0x8: {  	[smem:$0x3FAC] =	sst s0  }
0x9: {  	[smem:$0x3FAD] =	sst s1  }
0xa: {  	[smem:$0x3FAE] =	sst s2  }
0xb: {  	[smem:$0x3FAF] =	sst s3  }
0xc: {  	[smem:$0x3FB0] =	sst s4  }
0xd: {  	[smem:$0x3FB1] =	sst s5  }
0xe: {  	[smem:$0x3FB2] =	sst s6  }
0xf: {  	[smem:$0x3FB3] =	sst s7  }
0x10: {  	[smem:$0x3FB4] =	sst s8  }
0x11: {  	[smem:$0x3FB5] =	sst s9;
	s0 =	simm.s32 @!p0 $0x0  }
0x12: {  	s1 =	sld [smem:$0x3F9B];
	s0 =	simm.s32 @p0 $0x1  }
0x13: {  	[smem:$0x3FB6] =	sst s0;
	s0 =	simm.s32 @!p1 $0x0  }
0x14: {  	s2 =	sld [smem:$0x3F9A];
	s0 =	simm.s32 @p1 $0x1  }
0x15: {  	[smem:$0x3FB7] =	sst s0;
	s0 =	simm.s32 @!p2 $0x0  }
0x16: {  	s3 =	sld [smem:$0x3FDB];
	s0 =	simm.s32 @p2 $0x1  }
0x17: {  	s4 =	simm.s32 $0x1BF5;
	[smem:$0x3FB9] =	sst s0  }
0x18: {  	s0 =	sld [smem:$0x3F9C];
	_ =	swait.ge [sflag:s4], $0x0  }
0x19: {  	s7 =	sld [smem:$0x3F9D]  }
0x1a: {  	s8 =	sadd.s32 $0xFFFFE003, lr  }
0x1b: {  	s9 =	sadd.s32 $0xFFFFFEF7, lr;
	s5 =	simm.s32 $0xFFFFFFFF;
	p2 =	slt.u32 s8, $0xFFFFF086  }
0x1c: {  	p1 =	slt.u32 s9, $0xF7A;
	s5 =	simm.s32 @!p2 $0x0  }
0x1d: {  	s5 =	simm.s32 @p1 $0x1;
	p0 =	seq.s32 s7, s2  }
0x1e: {  	s7 =	smul.u32 @!p0 $0xF7A, s2;
	p2 =	seq.s32 @!p0 s5, $0x0  }
0x1f: {  	s9 =	smul.u32 $0xF7A, s1;
	s8 =	simm.s32 @!p0 $0x1BF5;
	p2 =	por !p2, p0  }
0x20: {  	[sflag:s8] =	ssyncset.s32 @!p0 $0xFFFFF086;
	s6 =	sadd.s32 @!p0 s3, s7;
	s7 =	simm.s32 @!p0 $0x108  }
0x21: {  	s3 =	sadd.s32 s3, s9;
	s6 =	sadd.s32 @!p0 $0x88, s6;
	s7 =	simm.s32 @p2 $0x1082  }
0x22: {  	[simem:s7], [sflag:s8] =	dma.local @!p0 [hbm:s6], $0xF7A  }
0x23: {  	s9 =	sor.u32 $0xD0000000, s2;
	s6 =	simm.s32 $0x108;
	_ =	swait.ge @!p0 [sflag:s8], $0x0  }
0x24: {  	s3 =	sadd.s32 $0x88, s3;
	s6 =	simm.s32 @!p1 $0x1082;
	[sflag:s4] =	ssyncset.s32 $0xFFFFF086  }
0x25: {  	[simem:s6], [sflag:s4] =	dma.local [hbm:s3], $0xF7A  }
0x26: {  	[smem:$0x3F9D] =	sst s1;
	(tag) =	ssettag s2;
	_ =	strace s9  }
0x27: {  	s1 =	sld [smem:$0x3FAD]  }
0x28: {  	s2 =	sld [smem:$0x3FAE]  }
0x29: {  	s4 =	sld [smem:$0x3FB0]  }
0x2a: {  	p0 =	seq.s32 s5, $0x0;
	s5 =	sld [smem:$0x3FB1]  }
0x2b: {  	s6 =	sld [smem:$0x3FB2]  }
0x2c: {  	s7 =	sld [smem:$0x3FB3]  }
0x2d: {  	s3 =	simm.s32 $0x108;
	s8 =	sld [smem:$0x3FB4]  }
0x2e: {  	s3 =	simm.s32 @!p0 $0x1082;
	s9 =	sld [smem:$0x3FB5]  }
0x2f: {  	lr =	sadd.s32 s0, s3;
	s0 =	sld [smem:$0x3FAC]  }
0x30: {  	s3 =	sld [smem:$0x3FAF]  }
0x31: {  	[smem:$0x3FB8] =	sst s10  }
0x32: {  	s10 =	sld [smem:$0x3FB6];
	_ =	sdelay $0x3  }
0x33: {  	p0 =	seq.s32 s10, $0x1;
	s10 =	sld [smem:$0x3FB8];
	_ =	sdelay $0x3  }
0x34: {  	[smem:$0x3FB8] =	sst s10  }
0x35: {  	s10 =	sld [smem:$0x3FB7];
	_ =	sdelay $0x3  }
0x36: {  	p1 =	seq.s32 s10, $0x1;
	s10 =	sld [smem:$0x3FB8];
	_ =	sdelay $0x3  }
0x37: {  	[smem:$0x3FB8] =	sst s10  }
0x38: {  	s10 =	sld [smem:$0x3FB9]  }
0x39: {  	_ = 	snop;
	(pc) =	sbr.ind lr, $3  }
0x3a: {  	_ = 	snop  }
0x3b: {  	_ = 	snop  }
0x3c: {  	p2 =	seq.s32 s10, $0x1;
	s10 =	sld [smem:$0x3FB8]  }
0x3d: {  	_ =	shalt  }
0x3e: {  	_ =	shalt  }
0x3f: {  	_ =	shalt  }
0x40: {  	_ =	shalt  }
0x41: {  	_ =	shalt  }
0x42: {  	_ =	shalt  }
0x43: {  	_ =	shalt  }
0x44: {  	_ =	shalt  }
0x45: {  	_ =	shalt  }
0x46: {  	_ =	shalt  }
0x47: {  	_ =	shalt  }
0x48: {  	_ =	shalt  }
0x49: {  	_ =	shalt  }
0x4a: {  	_ =	shalt  }
0x4b: {  	_ =	shalt  }
0x4c: {  	_ =	shalt  }
0x4d: {  	_ =	shalt  }
0x4e: {  	_ =	shalt  }
0x4f: {  	_ =	shalt  }
0x50: {  	_ =	shalt  }
0x51: {  	_ =	shalt  }
0x52: {  	_ =	shalt  }
0x53: {  	_ =	shalt  }
0x54: {  	_ =	shalt  }
0x55: {  	_ =	shalt  }
0x56: {  	_ =	shalt  }
0x57: {  	_ =	shalt  }
0x58: {  	_ =	shalt  }
0x59: {  	_ =	shalt  }
0x5a: {  	_ =	shalt  }
0x5b: {  	_ =	shalt  }
0x5c: {  	_ =	shalt  }
0x5d: {  	_ =	shalt  }
0x5e: {  	_ =	shalt  }
0x5f: {  	_ =	shalt  }
0x60: {  	_ =	shalt  }
0x61: {  	_ =	shalt  }
0x62: {  	_ =	shalt  }
0x63: {  	_ =	shalt  }
0x64: {  	_ =	shalt  }
0x65: {  	_ =	shalt  }
0x66: {  	_ =	shalt  }
0x67: {  	_ =	shalt  }
0x68: {  	_ =	shalt  }
0x69: {  	_ =	shalt  }
0x6a: {  	_ =	shalt  }
0x6b: {  	_ =	shalt  }
0x6c: {  	_ =	shalt  }
0x6d: {  	_ =	shalt  }
0x6e: {  	_ =	shalt  }
0x6f: {  	_ =	shalt  }
0x70: {  	_ =	shalt  }
0x71: {  	_ =	shalt  }
0x72: {  	_ =	shalt  }
0x73: {  	_ =	shalt  }
0x74: {  	_ =	shalt  }
0x75: {  	_ =	shalt  }
0x76: {  	_ =	shalt  }
0x77: {  	_ =	shalt  }
0x78: {  	_ =	shalt  }
0x79: {  	_ =	shalt  }
0x7a: {  	_ =	shalt  }
0x7b: {  	_ =	shalt  }
0x7c: {  	_ =	shalt  }
0x7d: {  	_ =	shalt  }
0x7e: {  	_ =	shalt  }
0x7f: {  	_ =	shalt  }
0x80: {  	_ =	shalt  }
0x81: {  	_ =	shalt  }
0x82: {  	_ =	shalt  }
0x83: {  	_ =	shalt  }
0x84: {  	_ =	shalt  }
0x85: {  	_ =	shalt  }
0x86: {  	_ =	shalt  }
0x87: {  	_ =	shalt  }
.Lfunc_end0:
.L_simem_size_0:
called_computation_lowered:
.L_overlay_start_0:
0x88: {  	s2 =	sld [smem:$0x3FD9]  }
0x89: {  	s3 =	sld [smem:$0x3FFE];
	_ =	sdelay $0x1  }
0x8a: {  	s1 =	srdreg.scid  }
0x8b: {  	s0 =	sand.u32 $0x1, s1  }
0x8c: {  	s17 =	sshll.u32 s0, $0xA;
	s2 =	sadd.s32 s3, s2  }
0x8d: {  	s2 =	sadd.s32 s2, s17  }
0x8e: {  	[smem:$0x3FC4] =	sst s2  }
0x8f: {  	_ = 	snop  }
0x90: {  	s2 =	sld [smem:$0x3FD0];
	(tm) =	ssettm $0x1  }
0x91: {  	s18 =	sld [smem:$0x3FFB];
	_ =	sdelay $0x3  }
0x92: {  	_ =	strace s18  }
0x93: {  	s3 =	sld [smem:$0x3FFC];
	_ =	sdelay $0x3  }
0x94: {  	_ =	strace s3  }
0x95: {  	s3 =	sld [smem:$0x3FFD];
	_ =	sdelay $0x3  }
0x96: {  	_ =	strace s3  }
0x97: {  	_ =	strace $0x8FFFFFFF  }
0x98: {  	s19 =	sld [smem:$0x3FDB];
	_ =	sdelay $0x1  }
0x99: {  	s4 =	simm.s32 $_scs_section_size  }
0x9a: {  	s5 =	simm.s32 $_size__tile_overlayer_lowered;
	s6 =	simm.s32 $_tile_overlayer_lowered  }
0x9b: {  	s22 =	simm.s32 $0x1BFF;
	s21 =	sshll.u32 s6, $0x1;
	s3 =	sadd.s32 s4, s19  }
0x9c: {  	s7 =	simm.s32 $0x0;
	s20 =	sshll.u32 s5, $0x1;
	s5 =	sadd.s32 s21, s3  }
0x9d: {  	[timem:s7], [sflag:s22] =	dma.local [hbm:s5], s20  }
0x9e: {  	_ =	swait.ge [sflag:s22], s20  }
0x9f: {  	s4 =	ssub.s32 $0x0, s20;
	[sflag:s22] =	ssyncset.done $0x0  }
0xa0: {  	[sflag:s22] =	ssyncadd.s32 s4;
	_ =	sdelay $0x1  }
0xa1: {  	s23 =	simm.s32 $0x1B8B  }
0xa2: {  	_ =	swait.ge [sflag:s23], $0x1  }
0xa3: {  	[sflag:s23] =	ssyncset.done $0x0  }
0xa4: {  	s25 =	simm.s32 $0x1B8E;
	s24 =	sld [smem:$0x3FFE];
	[sflag:s23] =	ssyncadd.s32 $0xFFFFFFFF  }
0xa5: {  	s26 =	simm.s32 $execute0_lowered;
	[smem:$0x3FD2] =	sst s25  }
0xa6: {  	s5 =	sshll.u32 s26, $0x1;
	_ =	strace $0x80000046;
	[dreg:$0x1] =	wrdreg $0xFFFFFFFF  }
0xa7: {  	s28 =	simm.s32 $_size_execute0_lowered;
	s3 =	sadd.s32 s3, s5;
	[dreg:$0x0] =	wrdreg $0x0  }
0xa8: {  	s5 =	sshll.u32 s28, $0x1;
	[dreg:$0x2] =	wrdreg s3  }
0xa9: {  	[dreg:$0x3] =	wrdreg s5  }
0xaa: {  	[dreg:$0x4] =	wrdreg $0xC0  }
0xab: {  	_ =	task [dreg:s7], $0x5FFFF  }
0xac: {  	[dreg:$0x1] =	wrdreg $0xFFFFFFFF  }
0xad: {  	[dreg:$0x0] =	wrdreg $0x60  }
0xae: {  	[dreg:$0x2] =	wrdreg s24  }
0xaf: {  	[dreg:$0x3] =	wrdreg s2  }
0xb0: {  	[dreg:$0x4] =	wrdreg $0x9  }
0xb1: {  	_ =	task.clear_ibuf [dreg:s7], $0x5FFFF;
	_ =	strace $0x90000046  }
0xb2: {  	s29 =	simm.s32 $0x9;
	_ =	strace $0x80000048  }
0xb3: {  	_ =	swait.ge [sflag:s29], $0x1  }
0xb4: {  	[sflag:s29] =	ssyncadd.s32 $0xFFFFFFFF  }
0xb5: {  	_ =	strace $0x90000048  }
0xb6: {  	_ =	sfence  }
0xb7: {  	s30 =	sld [smem:$0x0];
	_ =	sdelay $0x2  }
0xb8: {  	s31 =	sshll.u32 s1, $0xD;
	s1 =	sshrl.u32 s1, $0x2  }
0xb9: {  	s3 =	sand.u32 $0x4000, s31;
	s1 =	sadd.s32 s1, s30  }
0xba: {  	s0 =	sor.u32 s3, s0;
	s1 =	sshll.u32 s1, $0x11  }
0xbb: {  	s0 =	sor.u32 s1, s0  }
0xbc: {  	s0 =	sadd.s32 $0x8F2B, s0  }
0xbd: {  	[sflag:s0] =	ssyncadd.remote.s32 $0x1  }
0xbe: {  	_ =	sfence.sel $0xFFFF  }
0xbf: {  	[dreg:$0x0] =	wrdreg $0xFFFFFFFF;
	(pc) =	sbr.abs _section_cstart, $3  }
0xc0: {  	[dreg:$0x1] =	wrdreg $0xFFFFFFFF  }
0xc1: {  	_ =	task.clear_ibuf [dreg:s7], $0x2FFFF;
	_ =	strace $0x9FFFFFFF  }
0xc2: {  	(tm) =	ssettm $0x7FFFFFFF  }
0xc3: {  	_ =	shalt  }
tec
execute0_lowered:
.L_overlay_start_1:
0x0: {  	(tag) =	ssettag $0x1  }
0x1: {  	s5 =	rddreg [dreg:$0x0]  }
0x2: {  	s1 =	rddreg [dreg:$0x1]  }
0x3: {  	s0 =	rddreg [dreg:$0x2];
	s3 =	simm.s32 $0x0  }
0x4: {  	s4 =	srdreg.scid;
	s2 =	stileid.u32;
	s13 =	simm.s32 $0x5  }
0x5: {  	s14 =	simm.s32 $0xCC00;
	s15 =	simm.s32 $0x6400;
	s16 =	simm.s32 $0x100  }
0x6: {  	s17 =	simm.s32 $0x6500;
	s18 =	simm.s32 $0xCD80;
	s19 =	simm.s32 $0x14D80  }
0x7: {  	s20 =	simm.s32 $0x1;
	s21 =	simm.s32 $0x2;
	s22 =	simm.s32 $0x0  }
0x8: {  	[smem:$0x7FF] =	sst s3;
	s4 =	sand.u32 $0x1, s4;
	s6 =	sshll.u32 s2, $0x1  }
0x9: {  	s8 =	sadd.s32 $0xA00, s5;
	s7 =	ssub.s32 $0x2, s4;
	s10 =	sor.u32 s4, s6  }
0xa: {  	s9 =	sadd.s32 $0x19A00, s5;
	s31 =	sshrl.u32 s7, $0x1;
	s11 =	smul.u32 $0xC80, s10  }
0xb: {  	v0 =	vlaneseq.u32;
	_ =	strace $0x80000047;
	s4 =	sadd.s32 $0x800, s5;
	s12 =	ssub.s32 s7, s31  }
0xc: {  	v1 =	vmul.u32 $0x80, v0;
	s6 =	sadd.s32 s8, s11;
	s7 =	sadd.s32 s9, s11;
	s11 =	sor.u32 $0x20, s11  }
0xd: {  	s5 =	sadd.s32 $0x600, s5;
	s10 =	smul.u32 $0x320000, s10;
	s8 =	sadd.s32 s8, s11  }
0xe: {  	v2 =	vor.u32 $0x40, v1;
	s9 =	sadd.s32 s9, s11;
	s11 =	smax.u32 s12, $0x1;
	s12 =	simm.s32 $0xC800  }
.LBB2_1:
0xf: {  	[tilespmem:s12], [sflag:$0x5] =	stream.linear.gather [hbm4b:s4+s3], $0x400, $0x38;
	[tilespmem:$0x1CD80] =	vst v63  }
0x10: {  	_ =	swait.ge [sflag:s13], $0x400  }
0x11: {  	[sflag:s13] =	ssyncset.done $0x0  }
0x12: {  	[sflag:s13] =	ssyncadd.s32 $0xFFFFFC00  }
0x13: {  	[tilespmem:s14], [sflag:$0x5] =	stream.linear.gather [hbm4b:s5+s3], $0x180, $0x38;
	[tilespmem:$0x1CD80] =	vst v63  }
0x14: {  	_ =	swait.ge [sflag:s13], $0x180  }
0x15: {  	[sflag:s13] =	ssyncset.done $0x0  }
0x16: {  	[sflag:s13] =	ssyncadd.s32 $0xFFFFFE80  }
0x17: {  	[tilespmem:s3], [sflag:$0x5] =	stream.linear.gather [hbm4b:s6+s3], $0x100, $0x38;
	[tilespmem:$0x1CD80] =	vst v63  }
0x18: {  	_ =	swait.ge [sflag:s13], $0x100  }
0x19: {  	[sflag:s13] =	ssyncset.done $0x0  }
0x1a: {  	[sflag:s13] =	ssyncadd.s32 $0xFFFFFF00  }
0x1b: {  	[tilespmem:s15], [sflag:$0x5] =	stream.linear.gather [hbm4b:s7+s3], $0x100, $0x38;
	[tilespmem:$0x1CD80] =	vst v63  }
0x1c: {  	_ =	swait.ge [sflag:s13], $0x100  }
0x1d: {  	[sflag:s13] =	ssyncset.done $0x0  }
0x1e: {  	[sflag:s13] =	ssyncadd.s32 $0xFFFFFF00  }
0x1f: {  	[tilespmem:s16], [sflag:$0x3] =	stream.linear.gather [hbm4b:s8+s3], $0x6300, $0x38;
	[tilespmem:$0x1CD80] =	vst v63  }
0x20: {  	s23 =	simm.s32 $0x0  }
0x21: {  	[tilespmem:s17], [sflag:$0x4] =	stream.linear.gather [hbm4b:s9+s3], $0x6300, $0x38;
	[tilespmem:$0x1CD80] =	vst v63  }
.LBB2_2:
0x22: {  	p0 =	seq.s32 s23, $0x0  }
0x23: {  	s25 =	simm.s32 @!p0 $0x1  }
0x24: {  	_ =	swait.ge @!p0 [sflag:s25], $0x8000  }
0x25: {  	s24 =	sshll.u32 s23, $0x1;
	s26 =	sshll.u32 s23, $0x9;
	[sflag:s25] =	ssyncset.done @!p0 $0x0  }
0x26: {  	v3 =	vmov s26;
	s26 =	simm.s32 $0x0;
	[sflag:s25] =	ssyncadd.s32 @!p0 $0xFFFF8000;
	s25 =	simm.s32 $0x0  }
.LBB2_3:
0x27: {  	_ =	sdelay $0x2  }
0x28: {  	s28 =	sshll.u32 s26, $0x4  }
0x29: {  	v4 =	vld.idx.msk [tilespmem:v3+s28+$0x0 ss:$0x1], $0xffff;
	_ =	sdelay $0x3  }
0x2a: {  	v10 =	vadd.s32 s25, v0;
	s29 =	simm.s32 $0x3  }
0x2b: {  	v8 =	vand.u32 $0x3F, v10;
	v13 =	vadd.s32 s29, v0;
	v6 =	vshll.u32 v4, $0x6;
	v4 =	vld.idx.msk [tilespmem:v3+s28+$0x6400 ss:$0x1], $0xffff;
	s28 =	simm.s32 $0x2  }
0x2c: {  	s29 =	simm.s32 $0x1;
	v12 =	vand.u32 $0x3F, v13;
	v11 =	vor.u32 v6, v8;
	v15 =	vadd.s32 s28, v0  }
0x2d: {  	v16 =	vadd.s32 s29, v0;
	s29 =	simm.s32 $0x4;
	v17 =	vor.u32 v6, v12;
	v14 =	vand.u32 $0x3F, v15  }
0x2e: {  	v18 =	vand.u32 $0x3F, v16;
	v9 =	vadd.s32 s29, v0;
	s28 =	sshll.u32 s26, $0xB;
	v19 =	vor.u32 v6, v14  }
0x2f: {  	v23 =	vand.u32 $0x3F, v9;
	v20 =	vor.u32 v6, v18;
	v7 =	vor.u32 s28, v1  }
0x30: {  	v24 =	vor.u32 v6, v23;
	v21 =	vor.u32 v7, v8  }
0x31: {  	v27 =	vor.u32 v7, v23;
	v26 =	vor.u32 v7, v12;
	v5 =	vshll.u32 v4, $0x6;
	v22 =	vld.idx.msk [tilespmem:v11+s12+$0x0], $0xffff  }
0x32: {  	v28 =	vor.u32 v7, v14;
	v4 =	vor.u32 s28, v2;
	s28 =	simm.s32 $0x7;
	v25 =	vor.u32 v5, v8;
	v17 =	vld.idx.msk [tilespmem:v17+s12+$0x0], $0xffff  }
0x33: {  	s29 =	simm.s32 $0x6;
	v30 =	vor.u32 v7, v18;
	v29 =	vor.u32 v5, v12;
	v11 =	vadd.s32 s28, v0;
	v19 =	vld.idx.msk [tilespmem:v19+s12+$0x0], $0xffff  }
0x34: {  	v20 =	vld.idx.msk [tilespmem:v20+s12+$0x0], $0xffff;
	v14 =	vor.u32 v5, v14;
	v8 =	vadd.s32 s29, v0;
	v18 =	vor.u32 v5, v18  }
0x35: {  	s28 =	simm.s32 $0x5;
	v24 =	vld.idx.msk [tilespmem:v24+s12+$0x0], $0xffff;
	v36 =	vor.u32 v4, v10;
	v38 =	vor.u32 v4, v13;
	v31 =	vand.u32 $0x3F, v11  }
0x36: {  	v12 =	vadd.s32 s28, v0;
	v32 =	vand.u32 $0x3F, v8;
	[tilespmem:v21+s18+$0x0] =	vst.idx.msk $0xffff, v22;
	v21 =	vor.u32 v6, v31  }
0x37: {  	s28 =	simm.s32 $0x8;
	v33 =	vand.u32 $0x3F, v12;
	v34 =	vor.u32 v6, v32;
	[tilespmem:v26+s18+$0x0] =	vst.idx.msk $0xffff, v17;
	v25 =	vld.idx.msk [tilespmem:v25+s14+$0x0], $0xffff  }
0x38: {  	v10 =	vadd.s32 s28, v0;
	v35 =	vor.u32 v6, v33;
	v37 =	vld.idx.msk [tilespmem:v29+s14+$0x0], $0xffff;
	[tilespmem:v28+s18+$0x0] =	vst.idx.msk $0xffff, v19  }
0x39: {  	v40 =	vor.u32 v4, v15;
	[tilespmem:v30+s18+$0x0] =	vst.idx.msk $0xffff, v20;
	v39 =	vld.idx.msk [tilespmem:v14+s14+$0x0], $0xffff;
	v14 =	vand.u32 $0x3F, v10  }
0x3a: {  	v22 =	vor.u32 v4, v16;
	[tilespmem:v27+s18+$0x0] =	vst.idx.msk $0xffff, v24;
	v17 =	vld.idx.msk [tilespmem:v18+s14+$0x0], $0xffff;
	v26 =	vor.u32 v6, v14  }
0x3b: {  	v24 =	vor.u32 v7, v32;
	v29 =	vor.u32 v7, v31;
	v19 =	vor.u32 v5, v23;
	v21 =	vld.idx.msk [tilespmem:v21+s12+$0x0], $0xffff  }
0x3c: {  	s30 =	simm.s32 $0xA;
	s28 =	simm.s32 $0xB;
	v30 =	vor.u32 v7, v33;
	v20 =	vld.idx.msk [tilespmem:v34+s12+$0x0], $0xffff;
	v28 =	vor.u32 v5, v31;
	[tilespmem:v36+s18+$0x0] =	vst.idx.msk $0xffff, v25  }
0x3d: {  	v15 =	vadd.s32 s28, v0;
	v16 =	vadd.s32 s30, v0;
	v23 =	vor.u32 v5, v32;
	[tilespmem:v38+s18+$0x0] =	vst.idx.msk $0xffff, v37;
	v25 =	vld.idx.msk [tilespmem:v35+s12+$0x0], $0xffff  }
0x3e: {  	s29 =	simm.s32 $0x9;
	s28 =	simm.s32 $0xC;
	v27 =	vor.u32 v5, v33;
	v18 =	vand.u32 $0x3F, v15;
	v13 =	vor.u32 v7, v14;
	[tilespmem:v40+s18+$0x0] =	vst.idx.msk $0xffff, v39  }
.LBB2_4:
0x3f: {  	p0 =	slt.u32 s28, $0x3C;
	v31 =	vld.idx.msk [tilespmem:v26+s12+$0x0], $0xffff;
	v32 =	vadd.s32 s29, v0;
	v33 =	vand.u32 $0x3F, v16;
	v34 =	vor.u32 v6, v18;
	[tilespmem:v22+s18+$0x0] =	vst.idx.msk $0xffff, v17  }
0x40: {  	v35 =	vand.u32 $0x3F, v32;
	v36 =	vor.u32 v6, v33;
	v37 =	vld.idx.msk [tilespmem:v19+s14+$0x0], $0xffff;
	[tilespmem:v29+s18+$0x0] =	vst.idx.msk $0xffff, v21;
	v19 =	vmov v14  }
0x41: {  	v39 =	vor.u32 v4, v9;
	v38 =	vor.u32 v6, v35;
	[tilespmem:v24+s18+$0x0] =	vst.idx.msk $0xffff, v20;
	v40 =	vld.idx.msk [tilespmem:v28+s14+$0x0], $0xffff  }
0x42: {  	v42 =	vor.u32 v4, v11;
	v9 =	vmov v10;
	v10 =	vadd.s32 s28, v0;
	[tilespmem:v30+s18+$0x0] =	vst.idx.msk $0xffff, v25;
	v41 =	vld.idx.msk [tilespmem:v23+s14+$0x0], $0xffff  }
0x43: {  	v43 =	vor.u32 v4, v8;
	v11 =	vmovc v15;
	v8 =	vmov v16;
	v14 =	vand.u32 $0x3F, v10;
	v17 =	vld.idx.msk [tilespmem:v27+s14+$0x0], $0xffff  }
.Ltmp0:
0x44: {  	v22 =	vor.u32 v4, v12;
	v26 =	vor.u32 v6, v14;
	v19 =	vor.u32 v5, v19;
	v21 =	vld.idx.msk [tilespmem:v34+s12+$0x0], $0xffff;
	(pc) =	sbr.rel @p0 .LBB2_4-.Ltmp0, $4  }
0x45: {  	v29 =	vor.u32 v7, v18;
	[tilespmem:v13+s18+$0x0] =	vst.idx.msk $0xffff, v31;
	v13 =	vor.u32 v7, v14;
	v20 =	vld.idx.msk [tilespmem:v36+s12+$0x0], $0xffff  }
0x46: {  	s29 =	sadd.s32 $0x3, s28;
	v24 =	vor.u32 v7, v33;
	v28 =	vor.u32 v5, v18;
	v25 =	vld.idx.msk [tilespmem:v38+s12+$0x0], $0xffff;
	[tilespmem:v39+s18+$0x0] =	vst.idx.msk $0xffff, v37  }
0x47: {  	s30 =	sadd.s32 $0x2, s28;
	v15 =	vadd.s32 s29, v0;
	v30 =	vor.u32 v7, v35;
	v23 =	vor.u32 v5, v33;
	[tilespmem:v42+s18+$0x0] =	vst.idx.msk $0xffff, v40  }
0x48: {  	s29 =	sadd.s32 $0x1, s28;
	v16 =	vadd.s32 s30, v0;
	s28 =	sadd.s32 $0x4, s28;
	v12 =	vmovc v32;
	v18 =	vand.u32 $0x3F, v15;
	v27 =	vor.u32 v5, v35;
	[tilespmem:v43+s18+$0x0] =	vst.idx.msk $0xffff, v41  }
0x49: {  	_ =	sdelay $0x1  }
0x4a: {  	v31 =	vadd.s32 s29, v0;
	v32 =	vand.u32 $0x3F, v16;
	v33 =	vor.u32 v6, v18  }
0x4b: {  	v34 =	vand.u32 $0x3F, v31;
	v35 =	vor.u32 v6, v32  }
0x4c: {  	v26 =	vld.idx.msk [tilespmem:v26+s12+$0x0], $0xffff;
	v50 =	vor.u32 v6, v34  }
0x4d: {  	[tilespmem:v29+s18+$0x0] =	vst.idx.msk $0xffff, v21;
	v19 =	vld.idx.msk [tilespmem:v19+s14+$0x0], $0xffff;
	v9 =	vor.u32 v4, v9  }
0x4e: {  	[tilespmem:v22+s18+$0x0] =	vst.idx.msk $0xffff, v17;
	v11 =	vor.u32 v4, v11;
	v51 =	vld.idx.msk [tilespmem:v28+s14+$0x0], $0xffff  }
0x4f: {  	v14 =	vor.u32 v5, v14;
	v53 =	vor.u32 v7, v18;
	[tilespmem:v24+s18+$0x0] =	vst.idx.msk $0xffff, v20;
	v52 =	vld.idx.msk [tilespmem:v33+s12+$0x0], $0xffff  }
0x50: {  	v56 =	vor.u32 v5, v18;
	v55 =	vor.u32 v7, v32;
	[tilespmem:v30+s18+$0x0] =	vst.idx.msk $0xffff, v25;
	v54 =	vld.idx.msk [tilespmem:v35+s12+$0x0], $0xffff  }
0x51: {  	v58 =	vor.u32 v5, v32;
	v57 =	vor.u32 v7, v34;
	[tilespmem:v13+s18+$0x0] =	vst.idx.msk $0xffff, v26;
	v6 =	vld.idx.msk [tilespmem:v50+s12+$0x0], $0xffff  }
0x52: {  	v8 =	vor.u32 v4, v8;
	v23 =	vld.idx.msk [tilespmem:v23+s14+$0x0], $0xffff;
	v5 =	vor.u32 v5, v34;
	[tilespmem:v9+s18+$0x0] =	vst.idx.msk $0xffff, v19  }
0x53: {  	v12 =	vor.u32 v4, v12;
	v59 =	vld.idx.msk [tilespmem:v27+s14+$0x0], $0xffff;
	[tilespmem:v11+s18+$0x0] =	vst.idx.msk $0xffff, v51  }
0x54: {  	v10 =	vor.u32 v4, v10;
	v60 =	vld.idx.msk [tilespmem:v14+s14+$0x0], $0xffff;
	[tilespmem:v53+s18+$0x0] =	vst.idx.msk $0xffff, v52  }
0x55: {  	v15 =	vor.u32 v4, v15;
	[tilespmem:v55+s18+$0x0] =	vst.idx.msk $0xffff, v54;
	v61 =	vld.idx.msk [tilespmem:v56+s14+$0x0], $0xffff  }
0x56: {  	v63 =	vor.u32 v4, v16;
	s26 =	sadd.s32 $0x1, s26;
	[tilespmem:v57+s18+$0x0] =	vst.idx.msk $0xffff, v6;
	v62 =	vld.idx.msk [tilespmem:v58+s14+$0x0], $0xffff  }
0x57: {  	v4 =	vor.u32 v4, v31;
	p0 =	sne.s32 s26, $0x10;
	[tilespmem:v8+s18+$0x0] =	vst.idx.msk $0xffff, v23;
	v5 =	vld.idx.msk [tilespmem:v5+s14+$0x0], $0xffff  }
.Ltmp1:
0x58: {  	[tilespmem:v12+s18+$0x0] =	vst.idx.msk $0xffff, v59;
	(pc) =	sbr.rel @p0 .LBB2_3-.Ltmp1, $4  }
0x59: {  	[tilespmem:v10+s18+$0x0] =	vst.idx.msk $0xffff, v60  }
0x5a: {  	[tilespmem:v15+s18+$0x0] =	vst.idx.msk $0xffff, v61  }
0x5b: {  	[tilespmem:v63+s18+$0x0] =	vst.idx.msk $0xffff, v62  }
0x5c: {  	[tilespmem:v4+s18+$0x0] =	vst.idx.msk $0xffff, v5  }
0x5d: {  	s25 =	sshll.u32 s23, $0x10  }
0x5e: {  	s25 =	sadd.s32 s10, s25  }
0x5f: {  	s25 =	sshrl.u32 s25, $0x3  }
0x60: {  	p0 =	sne.s32 s23, $0x0;
	s25 =	sadd.s32 s1, s25  }
0x61: {  	[hbm4b:s25+s3] =	stream.linear.scatter [tilespmem:s18], [sflag:$0x1], $0x8000, $0x38;
	[tilespmem:$0x1CD80] =	vst v63  }
0x62: {  	s25 =	simm.s32 @p0 $0x2  }
0x63: {  	_ =	swait.ge @p0 [sflag:s25], $0x8000  }
0x64: {  	[sflag:s25] =	ssyncset.done @p0 $0x0  }
0x65: {  	[sflag:s25] =	ssyncadd.s32 @p0 $0xFFFF8000;
	s25 =	simm.s32 @!p0 $0x3  }
0x66: {  	_ =	swait.ge @!p0 [sflag:s25], $0x6300  }
0x67: {  	[sflag:s25] =	ssyncset.done @!p0 $0x0  }
0x68: {  	[sflag:s25] =	ssyncadd.s32 @!p0 $0xFFFF9D00;
	s25 =	simm.s32 @!p0 $0x4  }
0x69: {  	s24 =	sor.u32 $0x1, s24;
	_ =	swait.ge @!p0 [sflag:s25], $0x6300  }
0x6a: {  	s26 =	sshll.u32 s24, $0x8;
	[sflag:s25] =	ssyncset.done @!p0 $0x0  }
0x6b: {  	v3 =	vmov s26;
	s26 =	simm.s32 $0x0;
	[sflag:s25] =	ssyncadd.s32 @!p0 $0xFFFF9D00;
	s25 =	simm.s32 $0x0  }
.LBB2_7:
0x6c: {  	_ =	sdelay $0x2  }
0x6d: {  	s28 =	sshll.u32 s26, $0x4  }
0x6e: {  	v4 =	vld.idx.msk [tilespmem:v3+s28+$0x0 ss:$0x1], $0xffff;
	_ =	sdelay $0x3  }
0x6f: {  	v10 =	vadd.s32 s25, v0;
	s29 =	simm.s32 $0x3  }
0x70: {  	v8 =	vand.u32 $0x3F, v10;
	v13 =	vadd.s32 s29, v0;
	v6 =	vshll.u32 v4, $0x6;
	v4 =	vld.idx.msk [tilespmem:v3+s28+$0x6400 ss:$0x1], $0xffff;
	s28 =	simm.s32 $0x2  }
0x71: {  	s29 =	simm.s32 $0x1;
	v12 =	vand.u32 $0x3F, v13;
	v11 =	vor.u32 v6, v8;
	v15 =	vadd.s32 s28, v0  }
0x72: {  	v16 =	vadd.s32 s29, v0;
	s29 =	simm.s32 $0x4;
	v17 =	vor.u32 v6, v12;
	v14 =	vand.u32 $0x3F, v15  }
0x73: {  	v18 =	vand.u32 $0x3F, v16;
	v9 =	vadd.s32 s29, v0;
	s28 =	sshll.u32 s26, $0xB;
	v19 =	vor.u32 v6, v14  }
0x74: {  	v23 =	vand.u32 $0x3F, v9;
	v20 =	vor.u32 v6, v18;
	v7 =	vor.u32 s28, v1  }
0x75: {  	v24 =	vor.u32 v6, v23;
	v21 =	vor.u32 v7, v8  }
0x76: {  	v27 =	vor.u32 v7, v23;
	v26 =	vor.u32 v7, v12;
	v5 =	vshll.u32 v4, $0x6;
	v22 =	vld.idx.msk [tilespmem:v11+s12+$0x0], $0xffff  }
0x77: {  	v28 =	vor.u32 v7, v14;
	v4 =	vor.u32 s28, v2;
	s28 =	simm.s32 $0x7;
	v25 =	vor.u32 v5, v8;
	v17 =	vld.idx.msk [tilespmem:v17+s12+$0x0], $0xffff  }
0x78: {  	s29 =	simm.s32 $0x6;
	v30 =	vor.u32 v7, v18;
	v29 =	vor.u32 v5, v12;
	v11 =	vadd.s32 s28, v0;
	v19 =	vld.idx.msk [tilespmem:v19+s12+$0x0], $0xffff  }
0x79: {  	v20 =	vld.idx.msk [tilespmem:v20+s12+$0x0], $0xffff;
	v14 =	vor.u32 v5, v14;
	v8 =	vadd.s32 s29, v0;
	v18 =	vor.u32 v5, v18  }
0x7a: {  	s28 =	simm.s32 $0x5;
	v24 =	vld.idx.msk [tilespmem:v24+s12+$0x0], $0xffff;
	v36 =	vor.u32 v4, v10;
	v38 =	vor.u32 v4, v13;
	v31 =	vand.u32 $0x3F, v11  }
0x7b: {  	v12 =	vadd.s32 s28, v0;
	v32 =	vand.u32 $0x3F, v8;
	[tilespmem:v21+s19+$0x0] =	vst.idx.msk $0xffff, v22;
	v21 =	vor.u32 v6, v31  }
0x7c: {  	s28 =	simm.s32 $0x8;
	v33 =	vand.u32 $0x3F, v12;
	v34 =	vor.u32 v6, v32;
	[tilespmem:v26+s19+$0x0] =	vst.idx.msk $0xffff, v17;
	v25 =	vld.idx.msk [tilespmem:v25+s14+$0x0], $0xffff  }
0x7d: {  	v10 =	vadd.s32 s28, v0;
	v35 =	vor.u32 v6, v33;
	v37 =	vld.idx.msk [tilespmem:v29+s14+$0x0], $0xffff;
	[tilespmem:v28+s19+$0x0] =	vst.idx.msk $0xffff, v19  }
0x7e: {  	v40 =	vor.u32 v4, v15;
	[tilespmem:v30+s19+$0x0] =	vst.idx.msk $0xffff, v20;
	v39 =	vld.idx.msk [tilespmem:v14+s14+$0x0], $0xffff;
	v14 =	vand.u32 $0x3F, v10  }
0x7f: {  	v22 =	vor.u32 v4, v16;
	[tilespmem:v27+s19+$0x0] =	vst.idx.msk $0xffff, v24;
	v17 =	vld.idx.msk [tilespmem:v18+s14+$0x0], $0xffff;
	v26 =	vor.u32 v6, v14  }
0x80: {  	v24 =	vor.u32 v7, v32;
	v29 =	vor.u32 v7, v31;
	v19 =	vor.u32 v5, v23;
	v21 =	vld.idx.msk [tilespmem:v21+s12+$0x0], $0xffff  }
0x81: {  	s30 =	simm.s32 $0xA;
	s28 =	simm.s32 $0xB;
	v30 =	vor.u32 v7, v33;
	v20 =	vld.idx.msk [tilespmem:v34+s12+$0x0], $0xffff;
	v28 =	vor.u32 v5, v31;
	[tilespmem:v36+s19+$0x0] =	vst.idx.msk $0xffff, v25  }
0x82: {  	v15 =	vadd.s32 s28, v0;
	v16 =	vadd.s32 s30, v0;
	v23 =	vor.u32 v5, v32;
	[tilespmem:v38+s19+$0x0] =	vst.idx.msk $0xffff, v37;
	v25 =	vld.idx.msk [tilespmem:v35+s12+$0x0], $0xffff  }
0x83: {  	s29 =	simm.s32 $0x9;
	s28 =	simm.s32 $0xC;
	v27 =	vor.u32 v5, v33;
	v18 =	vand.u32 $0x3F, v15;
	v13 =	vor.u32 v7, v14;
	[tilespmem:v40+s19+$0x0] =	vst.idx.msk $0xffff, v39  }
.LBB2_8:
0x84: {  	p0 =	slt.u32 s28, $0x3C;
	v31 =	vld.idx.msk [tilespmem:v26+s12+$0x0], $0xffff;
	v32 =	vadd.s32 s29, v0;
	v33 =	vand.u32 $0x3F, v16;
	v34 =	vor.u32 v6, v18;
	[tilespmem:v22+s19+$0x0] =	vst.idx.msk $0xffff, v17  }
0x85: {  	v35 =	vand.u32 $0x3F, v32;
	v36 =	vor.u32 v6, v33;
	v37 =	vld.idx.msk [tilespmem:v19+s14+$0x0], $0xffff;
	[tilespmem:v29+s19+$0x0] =	vst.idx.msk $0xffff, v21;
	v19 =	vmov v14  }
0x86: {  	v39 =	vor.u32 v4, v9;
	v38 =	vor.u32 v6, v35;
	[tilespmem:v24+s19+$0x0] =	vst.idx.msk $0xffff, v20;
	v40 =	vld.idx.msk [tilespmem:v28+s14+$0x0], $0xffff  }
0x87: {  	v42 =	vor.u32 v4, v11;
	v9 =	vmov v10;
	v10 =	vadd.s32 s28, v0;
	[tilespmem:v30+s19+$0x0] =	vst.idx.msk $0xffff, v25;
	v41 =	vld.idx.msk [tilespmem:v23+s14+$0x0], $0xffff  }
0x88: {  	v43 =	vor.u32 v4, v8;
	v11 =	vmovc v15;
	v8 =	vmov v16;
	v14 =	vand.u32 $0x3F, v10;
	v17 =	vld.idx.msk [tilespmem:v27+s14+$0x0], $0xffff  }
.Ltmp2:
0x89: {  	v22 =	vor.u32 v4, v12;
	v26 =	vor.u32 v6, v14;
	v19 =	vor.u32 v5, v19;
	v21 =	vld.idx.msk [tilespmem:v34+s12+$0x0], $0xffff;
	(pc) =	sbr.rel @p0 .LBB2_8-.Ltmp2, $4  }
0x8a: {  	v29 =	vor.u32 v7, v18;
	[tilespmem:v13+s19+$0x0] =	vst.idx.msk $0xffff, v31;
	v13 =	vor.u32 v7, v14;
	v20 =	vld.idx.msk [tilespmem:v36+s12+$0x0], $0xffff  }
0x8b: {  	s29 =	sadd.s32 $0x3, s28;
	v24 =	vor.u32 v7, v33;
	v28 =	vor.u32 v5, v18;
	v25 =	vld.idx.msk [tilespmem:v38+s12+$0x0], $0xffff;
	[tilespmem:v39+s19+$0x0] =	vst.idx.msk $0xffff, v37  }
0x8c: {  	s30 =	sadd.s32 $0x2, s28;
	v15 =	vadd.s32 s29, v0;
	v30 =	vor.u32 v7, v35;
	v23 =	vor.u32 v5, v33;
	[tilespmem:v42+s19+$0x0] =	vst.idx.msk $0xffff, v40  }
0x8d: {  	s29 =	sadd.s32 $0x1, s28;
	v16 =	vadd.s32 s30, v0;
	s28 =	sadd.s32 $0x4, s28;
	v12 =	vmovc v32;
	v18 =	vand.u32 $0x3F, v15;
	v27 =	vor.u32 v5, v35;
	[tilespmem:v43+s19+$0x0] =	vst.idx.msk $0xffff, v41  }
0x8e: {  	_ =	sdelay $0x1  }
0x8f: {  	v31 =	vadd.s32 s29, v0;
	v32 =	vand.u32 $0x3F, v16;
	v33 =	vor.u32 v6, v18  }
0x90: {  	v34 =	vand.u32 $0x3F, v31;
	v35 =	vor.u32 v6, v32  }
0x91: {  	v26 =	vld.idx.msk [tilespmem:v26+s12+$0x0], $0xffff;
	v50 =	vor.u32 v6, v34  }
0x92: {  	[tilespmem:v29+s19+$0x0] =	vst.idx.msk $0xffff, v21;
	v19 =	vld.idx.msk [tilespmem:v19+s14+$0x0], $0xffff;
	v9 =	vor.u32 v4, v9  }
0x93: {  	[tilespmem:v22+s19+$0x0] =	vst.idx.msk $0xffff, v17;
	v11 =	vor.u32 v4, v11;
	v51 =	vld.idx.msk [tilespmem:v28+s14+$0x0], $0xffff  }
0x94: {  	v14 =	vor.u32 v5, v14;
	v53 =	vor.u32 v7, v18;
	[tilespmem:v24+s19+$0x0] =	vst.idx.msk $0xffff, v20;
	v52 =	vld.idx.msk [tilespmem:v33+s12+$0x0], $0xffff  }
0x95: {  	v56 =	vor.u32 v5, v18;
	v55 =	vor.u32 v7, v32;
	[tilespmem:v30+s19+$0x0] =	vst.idx.msk $0xffff, v25;
	v54 =	vld.idx.msk [tilespmem:v35+s12+$0x0], $0xffff  }
0x96: {  	v58 =	vor.u32 v5, v32;
	v57 =	vor.u32 v7, v34;
	[tilespmem:v13+s19+$0x0] =	vst.idx.msk $0xffff, v26;
	v6 =	vld.idx.msk [tilespmem:v50+s12+$0x0], $0xffff  }
0x97: {  	v8 =	vor.u32 v4, v8;
	v23 =	vld.idx.msk [tilespmem:v23+s14+$0x0], $0xffff;
	v5 =	vor.u32 v5, v34;
	[tilespmem:v9+s19+$0x0] =	vst.idx.msk $0xffff, v19  }
0x98: {  	v12 =	vor.u32 v4, v12;
	v59 =	vld.idx.msk [tilespmem:v27+s14+$0x0], $0xffff;
	[tilespmem:v11+s19+$0x0] =	vst.idx.msk $0xffff, v51  }
0x99: {  	v10 =	vor.u32 v4, v10;
	v60 =	vld.idx.msk [tilespmem:v14+s14+$0x0], $0xffff;
	[tilespmem:v53+s19+$0x0] =	vst.idx.msk $0xffff, v52  }
0x9a: {  	v15 =	vor.u32 v4, v15;
	[tilespmem:v55+s19+$0x0] =	vst.idx.msk $0xffff, v54;
	v61 =	vld.idx.msk [tilespmem:v56+s14+$0x0], $0xffff  }
0x9b: {  	v63 =	vor.u32 v4, v16;
	s26 =	sadd.s32 $0x1, s26;
	[tilespmem:v57+s19+$0x0] =	vst.idx.msk $0xffff, v6;
	v62 =	vld.idx.msk [tilespmem:v58+s14+$0x0], $0xffff  }
0x9c: {  	v4 =	vor.u32 v4, v31;
	p0 =	sne.s32 s26, $0x10;
	[tilespmem:v8+s19+$0x0] =	vst.idx.msk $0xffff, v23;
	v5 =	vld.idx.msk [tilespmem:v5+s14+$0x0], $0xffff  }
.Ltmp3:
0x9d: {  	[tilespmem:v12+s19+$0x0] =	vst.idx.msk $0xffff, v59;
	(pc) =	sbr.rel @p0 .LBB2_7-.Ltmp3, $4  }
0x9e: {  	[tilespmem:v10+s19+$0x0] =	vst.idx.msk $0xffff, v60  }
0x9f: {  	[tilespmem:v15+s19+$0x0] =	vst.idx.msk $0xffff, v61  }
0xa0: {  	[tilespmem:v63+s19+$0x0] =	vst.idx.msk $0xffff, v62  }
0xa1: {  	[tilespmem:v4+s19+$0x0] =	vst.idx.msk $0xffff, v5  }
0xa2: {  	s23 =	sadd.s32 $0x1, s23  }
0xa3: {  	p0 =	sne.s32 s23, $0x32  }
.Ltmp4:
0xa4: {  	s24 =	sshll.u32 s24, $0xF;
	(pc) =	sbr.rel @p0 .LBB2_2-.Ltmp4, $4  }
0xa5: {  	s24 =	sadd.s32 s10, s24  }
0xa6: {  	s24 =	sshrl.u32 s24, $0x3  }
0xa7: {  	s24 =	sadd.s32 s1, s24  }
0xa8: {  	[hbm4b:s24+s3] =	stream.linear.scatter [tilespmem:s19], [sflag:$0x2], $0x8000, $0x38;
	[tilespmem:$0x1CD80] =	vst v63  }
0xa9: {  	s22 =	sadd.s32 $0x1, s22  }
0xaa: {  	_ =	swait.ge [sflag:s20], $0x8000;
	p0 =	sne.s32 s22, s11  }
.Ltmp5:
0xab: {  	[sflag:s20] =	ssyncset.done $0x0;
	(pc) =	sbr.rel @p0 .LBB2_1-.Ltmp5, $4  }
0xac: {  	[sflag:s20] =	ssyncadd.s32 $0xFFFF8000  }
0xad: {  	_ =	swait.ge [sflag:s21], $0x8000  }
0xae: {  	[sflag:s21] =	ssyncset.done $0x0  }
0xaf: {  	[sflag:s21] =	ssyncadd.s32 $0xFFFF8000  }
0xb0: {  	_ =	sfence.sel $0x180000  }
0xb1: {  	[bflag:$0x0] =	sbarrier.arrive $0xFFFF  }
0xb2: {  	p0 =	sne.s32 s2, $0x0;
	_ =	strace $0x90000047  }
0xb3: {  	s0 =	sadd.s32 @!p0 $0x100000, s0;
	[bflag:$0x2] =	sbarrier.arrive $0xFFFF  }
0xb4: {  	[sflag:s0] =	ssyncadd.tile.s32 @!p0 $0x1;
	_ =	shalt  }
.Lfunc_end2:
_tile_overlayer_lowered:
.L_overlay_start_2:
0xb5: {  	(tag) =	ssettag $0x2  }
0xb6: {  	s0 =	rddreg [dreg:$0x0];
	s2 =	stileid.u32  }
0xb7: {  	s1 =	rddreg [dreg:$0x1];
	p0 =	sne.s32 s2, $0x0  }
0xb8: {  	s3 =	rddreg [dreg:$0x2];
	[bflag:$0x3] =	sbarrier.arrive $0xFFFF;
	s2 =	simm.s32 @!p0 $0x1C05  }
0xb9: {  	[timem:s3], [sflag:s2] =	dma.local @!p0 [hbm:s0], s1  }
0xba: {  	s0 =	simm.s32 @!p0 $0x5  }
0xbb: {  	_ =	swait.ge @!p0 [sflag:s0], s1  }
0xbc: {  	s1 =	ssub.s32 @!p0 $0x0, s1;
	[sflag:s0] =	ssyncset.done @!p0 $0x0  }
0xbd: {  	[sflag:s0] =	ssyncadd.s32 @!p0 s1  }
0xbe: {  	[bflag:$0x3] =	sbarrier.arrive $0xFFFF  }
0xbf: {  	_ =	shalt  }

</sc_bundles>
